<compile_context>
chip_gen: v7x
topology: tpu7x:2x2x1
jax: 0.10.2.dev20260603
libtpu: 0.0.44.dev20260713+nightly
codegen_flags: <defaults>
</compile_context>

<pallas_src>
import jax
import jax.numpy as jnp
from jax import lax
from jax.experimental import pallas as pl
from jax.experimental.pallas import tpu as pltpu
from jax.experimental.pallas import tpu_sc as plsc

N_NODES = 10000
N_EDGES = 320000
FEAT = 128
BN_EPS_K = 1e-5

NC = 2
NS = 16
NW = NC * NS
EDGES_PER_W = N_EDGES // NW
CHUNK_E = 125
CHUNKS = EDGES_PER_W // CHUNK_E
N_PAD = 10112
ROWS_PER_TILE = N_PAD // NS


TAIL_REAL = N_NODES - (NS - 1) * ROWS_PER_TILE
TAIL_PAD = N_PAD - N_NODES


def _sc_agg_body(h_hbm, seed_hbm, zero_hbm, src_hbm, dst_hbm, out_hbm,
                 rows_v, src_v, dst_v, sem_g, acc_sh):
    cid = lax.axis_index("c")
    sid = lax.axis_index("s")
    wid = sid * NC + cid

    r0 = sid * ROWS_PER_TILE

    @pl.when(jnp.logical_and(cid == 0, sid < NS - 1))
    def _():
        pltpu.sync_copy(seed_hbm.at[pl.ds(r0, ROWS_PER_TILE)],
                        acc_sh.at[pl.ds(r0, ROWS_PER_TILE)])

    @pl.when(jnp.logical_and(cid == 0, sid == NS - 1))
    def _():
        t0 = (NS - 1) * ROWS_PER_TILE
        pltpu.sync_copy(seed_hbm.at[pl.ds(t0, TAIL_REAL)],
                        acc_sh.at[pl.ds(t0, TAIL_REAL)])
        pltpu.sync_copy(zero_hbm.at[pl.ds(0, TAIL_PAD)],
                        acc_sh.at[pl.ds(N_NODES, TAIL_PAD)])

    @pl.when(cid == 1)
    def _():
        pltpu.sync_copy(zero_hbm, acc_sh.at[pl.ds(r0, ROWS_PER_TILE)])
    pltpu.sync_copy(src_hbm.at[wid], src_v)
    pltpu.sync_copy(dst_hbm.at[wid], dst_v)
    plsc.subcore_barrier()

    def loop_body(j, _):
        pltpu.async_copy(h_hbm.at[src_v.at[j]], rows_v, sem_g).wait()
        pltpu.sync_copy(rows_v, acc_sh.at[dst_v.at[j]], add=True)
        return 0

    lax.fori_loop(0, CHUNKS, loop_body, 0)
    plsc.subcore_barrier()

    pltpu.sync_copy(acc_sh.at[pl.ds(r0, ROWS_PER_TILE)],
                    out_hbm.at[cid].at[pl.ds(r0, ROWS_PER_TILE)])


@jax.jit
def _sc_agg(h, seed, zero_rows, src_r, dst_r):
    mesh = plsc.VectorSubcoreMesh(core_axis_name="c", subcore_axis_name="s")
    fn = pl.kernel(
        _sc_agg_body,
        out_type=jax.ShapeDtypeStruct((NC, N_PAD, FEAT), jnp.float32),
        mesh=mesh,
        scratch_types=[
            pltpu.VMEM((CHUNK_E, FEAT), jnp.float32),
            pltpu.VMEM((CHUNKS, CHUNK_E), jnp.int32),
            pltpu.VMEM((CHUNKS, CHUNK_E), jnp.int32),
            pltpu.SemaphoreType.DMA,
            pltpu.VMEM_SHARED((N_PAD, FEAT), jnp.float32),
        ],
    )
    return fn(h, seed, zero_rows, src_r, dst_r)



M_BLK = 1000
GRID_M = N_NODES // M_BLK


def _mlp2_body(p_ref, w1_ref, b1_ref, w2_ref, b2_ref, o_ref):
    h = p_ref[0] + p_ref[1]
    h = jnp.maximum(jnp.dot(h, w1_ref[...], preferred_element_type=jnp.float32)
                    + b1_ref[...], 0.0)
    h = jnp.maximum(jnp.dot(h, w2_ref[...], preferred_element_type=jnp.float32)
                    + b2_ref[...], 0.0)
    o_ref[...] = h


def _mlp3_body(p_ref, w1_ref, b1_ref, w2_ref, b2_ref,
               w3_ref, b3_ref, o_ref):
    h = p_ref[0] + p_ref[1]
    h = jnp.maximum(jnp.dot(h, w1_ref[...], preferred_element_type=jnp.float32)
                    + b1_ref[...], 0.0)
    h = jnp.maximum(jnp.dot(h, w2_ref[...], preferred_element_type=jnp.float32)
                    + b2_ref[...], 0.0)
    o_ref[...] = jnp.dot(h, w3_ref[...], preferred_element_type=jnp.float32) + b3_ref[...]


def _row_spec():
    return pl.BlockSpec((M_BLK, FEAT), lambda i: (i, 0))


def _pad_spec():
    return pl.BlockSpec((NC, M_BLK, FEAT), lambda i: (0, i, 0))


def _full_spec(shape):
    return pl.BlockSpec(shape, lambda i: tuple(0 for _ in shape))


@jax.jit
def _tc_mlp2(p, w1, b1, w2, b2):
    return pl.pallas_call(
        _mlp2_body,
        out_shape=jax.ShapeDtypeStruct((N_NODES, FEAT), jnp.float32),
        grid=(GRID_M,),
        in_specs=[_pad_spec(),
                  _full_spec((FEAT, FEAT)), _full_spec((1, FEAT)),
                  _full_spec((FEAT, FEAT)), _full_spec((1, FEAT))],
        out_specs=_row_spec(),
    )(p, w1, b1, w2, b2)


@jax.jit
def _tc_mlp3(p, w1, b1, w2, b2, w3, b3):
    return pl.pallas_call(
        _mlp3_body,
        out_shape=jax.ShapeDtypeStruct((N_NODES, FEAT), jnp.float32),
        grid=(GRID_M,),
        in_specs=[_pad_spec(),
                  _full_spec((FEAT, FEAT)), _full_spec((1, FEAT)),
                  _full_spec((FEAT, FEAT)), _full_spec((1, FEAT)),
                  _full_spec((FEAT, FEAT)), _full_spec((1, FEAT))],
        out_specs=_row_spec(),
    )(p, w1, b1, w2, b2, w3, b3)


def _fold_bn(W, b, g, be, rm, rv):
    s = g / jnp.sqrt(rv + BN_EPS_K)
    wt = W.T * s[None, :]
    bf = ((b - rm) * s + be)[None, :]
    return wt, bf


def kernel(x, edge_index, W1, b1, W2, b2, W3, b3, W4, b4, W5, b5,
           g1, be1, rm1, rv1, g2, be2, rm2, rv2,
           g3, be3, rm3, rv3, g4, be4, rm4, rv4):
    src_r = edge_index[0].reshape(NW, CHUNKS, CHUNK_E)
    dst_r = edge_index[1].reshape(NW, CHUNKS, CHUNK_E)
    zero_rows = jnp.zeros((ROWS_PER_TILE, FEAT), jnp.float32)

    w1t, b1f = _fold_bn(W1, b1, g1, be1, rm1, rv1)
    w2t, b2f = _fold_bn(W2, b2, g2, be2, rm2, rv2)
    w3t, b3f = _fold_bn(W3, b3, g3, be3, rm3, rv3)
    w4t, b4f = _fold_bn(W4, b4, g4, be4, rm4, rv4)
    w5t, b5f = W5.T, b5[None, :]

    p = _sc_agg(x, x, zero_rows, src_r, dst_r)
    h = _tc_mlp2(p, w1t, b1f, w2t, b2f)
    q = _sc_agg(h, h, zero_rows, src_r, dst_r)
    out = _tc_mlp3(q, w3t, b3f, w4t, b4f, w5t, b5f)
    return out

# --- scband reference (transcript-rebuilt; emitter-appended) ---
"""Pipeline reference for scband-gin-58076547776808 (READ-ONLY COPY).

The authoritative reference and input builder live on the scoring server;
editing this copy changes nothing except your own understanding.
"""

import jax, jax.numpy as jnp
import numpy as np

N = 10000
E = 320000
IN = 128
HID = 128
OUT = 128
GIN_EPS = 0.0
BN_EPS = 1e-5


def _lin_init(key, out_f, in_f):
    k1, k2 = jax.random.split(key)
    bound = 1.0 / np.sqrt(in_f)
    W = jax.random.uniform(k1, (out_f, in_f), minval=-bound, maxval=bound, dtype=jnp.float32)
    b = jax.random.uniform(k2, (out_f,), minval=-bound, maxval=bound, dtype=jnp.float32)
    return W, b


def setup_inputs(seed: int = 0) -> dict:
    key = jax.random.key(seed)
    ks = jax.random.split(key, 16)
    inp = {}
    inp['x'] = jax.random.normal(ks[0], (N, IN), dtype=jnp.float32)
    inp['edge_index'] = jax.random.randint(ks[1], (2, E), 0, N, dtype=jnp.int32)
    # conv1 MLP: Linear(IN,HID)+BN+ReLU, Linear(HID,HID)+BN+ReLU
    inp['W1'], inp['b1'] = _lin_init(ks[2], HID, IN)
    inp['W2'], inp['b2'] = _lin_init(ks[3], HID, HID)
    # conv2 MLP: Linear(HID,HID)+BN+ReLU, Linear(HID,HID)+BN+ReLU, Linear(HID,OUT)
    inp['W3'], inp['b3'] = _lin_init(ks[4], HID, HID)
    inp['W4'], inp['b4'] = _lin_init(ks[5], HID, HID)
    inp['W5'], inp['b5'] = _lin_init(ks[6], OUT, HID)
    for i, kk in zip((1, 2, 3, 4), (ks[7], ks[8], ks[9], ks[10])):
        inp[f'g{i}'] = jnp.ones((HID,), dtype=jnp.float32)
        inp[f'be{i}'] = jnp.zeros((HID,), dtype=jnp.float32)
        inp[f'rm{i}'] = jnp.zeros((HID,), dtype=jnp.float32)
        inp[f'rv{i}'] = jnp.ones((HID,), dtype=jnp.float32)
    return inp


def _bn(h, g, b, rm, rv):
    return (h - rm) / jnp.sqrt(rv + BN_EPS) * g + b


def reference(x, edge_index, W1, b1, W2, b2, W3, b3, W4, b4, W5, b5,
              g1, be1, rm1, rv1, g2, be2, rm2, rv2,
              g3, be3, rm3, rv3, g4, be4, rm4, rv4):
    src = edge_index[0]
    dst = edge_index[1]
    n = x.shape[0]

    def agg(h):
        # sum aggregation of neighbor messages (scatter-add at dst)
        return jax.ops.segment_sum(h[src], dst, num_segments=n)

    # GINConv 1: mlp1((1+eps)*x + sum_agg(x))
    h = (1.0 + GIN_EPS) * x + agg(x)
    h = jax.nn.relu(_bn(h @ W1.T + b1, g1, be1, rm1, rv1))
    h = jax.nn.relu(_bn(h @ W2.T + b2, g2, be2, rm2, rv2))
    # dropout p=0.0 -> identity
    # GINConv 2
    h2 = (1.0 + GIN_EPS) * h + agg(h)
    h2 = jax.nn.relu(_bn(h2 @ W3.T + b3, g3, be3, rm3, rv3))
    h2 = jax.nn.relu(_bn(h2 @ W4.T + b4, g4, be4, rm4, rv4))
    out = h2 @ W5.T + b5
    return out

if __name__ == "__main__":
    import jax
    _d = setup_inputs()
    print(jax.jit(kernel)(*tuple(_d.values())))

</pallas_src>

<mosaic_0001>
#map = affine_map<(d0, d1) -> (0, 0)>
#map1 = affine_map<(d0, d1) -> (0, 0, 0)>
module attributes {stable_mosaic.version = 14 : i64} {
  func.func @_sc_agg_body(%arg0: i32, %arg1: i32, %arg2: memref<10000x128xf32, #tpu.memory_space<hbm>>, %arg3: memref<10000x128xf32, #tpu.memory_space<hbm>>, %arg4: memref<632x128xf32, #tpu.memory_space<hbm>>, %arg5: memref<32x80x125xi32, #tpu.memory_space<hbm>>, %arg6: memref<32x80x125xi32, #tpu.memory_space<hbm>>, %arg7: memref<2x10112x128xf32, #tpu.memory_space<hbm>>, %arg8: memref<125x128xf32, #tpu.memory_space<vmem>>, %arg9: memref<80x125xi32, #tpu.memory_space<vmem>>, %arg10: memref<80x125xi32, #tpu.memory_space<vmem>>, %arg11: memref<!tpu.dma_semaphore, #tpu.memory_space<semaphore_mem>>, %arg12: memref<10112x128xf32, #tpu.memory_space<vmem_shared>>) attributes {dimension_semantics = [#tpu.dimension_semantics<core_parallel>, #tpu.dimension_semantics<subcore_parallel>], iteration_bounds = array<i64: 2, 16>, scalar_prefetch = 0 : i64, scratch_operands = 5 : i64, tpu.core_type = #tpu.core_type<sc_vector_subcore>, window_params = [{transform_indices = #map}, {transform_indices = #map}, {transform_indices = #map}, {transform_indices = #map1}, {transform_indices = #map1}, {transform_indices = #map1}]} {
    %mul3A = arith.constant 2 : i32
    %mul3A_0 = arith.muli %arg1, %mul3A : i32
    %add3A = arith.addi %mul3A_0, %arg0 : i32
    %mul3A_1 = arith.constant 632 : i32
    %mul3A_2 = arith.muli %arg1, %mul3A_1 : i32
    %eq3A = arith.constant 0 : i32
    %eq3A_3 = arith.cmpi eq, %arg0, %eq3A : i32
    %lt3A = arith.constant 15 : i32
    %lt3A_4 = arith.cmpi slt, %arg1, %lt3A : i32
    %and3A = arith.andi %eq3A_3, %lt3A_4 : i1
    %convert_element_type3A = arith.extui %and3A : i1 to i32
    %cond3A = arith.constant 0 : i32
    %cond3A_5 = arith.cmpi ne, %convert_element_type3A, %cond3A : i32
    scf.if %cond3A_5 {
      "tpu.region"() ({
        %run_scoped3A = tpu.sem_alloc : memref<!tpu.dma_semaphore, #tpu.memory_space<semaphore_mem>>
        %dma_start3A = arith.constant 0 : i32
        %dma_start3A_26 = tpu.memref_slice %arg12[%mul3A_2, %dma_start3A] : memref<10112x128xf32, #tpu.memory_space<vmem_shared>> -> memref<632x128xf32, #tpu.memory_space<vmem_shared>>
        %dma_start3A_27 = arith.constant 0 : i32
        %dma_start3A_28 = tpu.memref_slice %arg3[%mul3A_2, %dma_start3A_27] : memref<10000x128xf32, #tpu.memory_space<hbm>> -> memref<632x128xf32, #tpu.memory_space<hbm>>
        tpu.enqueue_dma source(%dma_start3A_28 : memref<632x128xf32, #tpu.memory_space<hbm>>) target(%dma_start3A_26 : memref<632x128xf32, #tpu.memory_space<vmem_shared>>) target_semaphore(%run_scoped3A : memref<!tpu.dma_semaphore, #tpu.memory_space<semaphore_mem>>)
        %dma_wait3A = arith.constant 0 : i32
        %dma_wait3A_29 = tpu.memref_slice %arg12[%mul3A_2, %dma_wait3A] : memref<10112x128xf32, #tpu.memory_space<vmem_shared>> -> memref<632x128xf32, #tpu.memory_space<vmem_shared>>
        %dma_wait3A_30 = arith.constant 0 : i32
        %dma_wait3A_31 = tpu.memref_slice %arg3[%mul3A_2, %dma_wait3A_30] : memref<10000x128xf32, #tpu.memory_space<hbm>> -> memref<632x128xf32, #tpu.memory_space<hbm>>
        tpu.wait_dma2 semaphore(%run_scoped3A : memref<!tpu.dma_semaphore, #tpu.memory_space<semaphore_mem>>) src(%dma_wait3A_31 : memref<632x128xf32, #tpu.memory_space<hbm>>) dst(%dma_wait3A_29 : memref<632x128xf32, #tpu.memory_space<vmem_shared>>)
        tpu.yield
      }) : () -> ()
    } else {
    }
    %eq3A_6 = arith.constant 0 : i32
    %eq3A_7 = arith.cmpi eq, %arg0, %eq3A_6 : i32
    %eq3A_8 = arith.constant 15 : i32
    %eq3A_9 = arith.cmpi eq, %arg1, %eq3A_8 : i32
    %and3A_10 = arith.andi %eq3A_7, %eq3A_9 : i1
    %convert_element_type3A_11 = arith.extui %and3A_10 : i1 to i32
    %cond3A_12 = arith.constant 0 : i32
    %cond3A_13 = arith.cmpi ne, %convert_element_type3A_11, %cond3A_12 : i32
    scf.if %cond3A_13 {
      "tpu.region"() ({
        %run_scoped3A = tpu.sem_alloc : memref<!tpu.dma_semaphore, #tpu.memory_space<semaphore_mem>>
        %dma_start3A = arith.constant 9480 : i32
        %dma_start3A_26 = arith.constant 0 : i32
        %dma_start3A_27 = tpu.memref_slice %arg12[%dma_start3A, %dma_start3A_26] : memref<10112x128xf32, #tpu.memory_space<vmem_shared>> -> memref<520x128xf32, #tpu.memory_space<vmem_shared>>
        %dma_start3A_28 = arith.constant 9480 : i32
        %dma_start3A_29 = arith.constant 0 : i32
        %dma_start3A_30 = tpu.memref_slice %arg3[%dma_start3A_28, %dma_start3A_29] : memref<10000x128xf32, #tpu.memory_space<hbm>> -> memref<520x128xf32, #tpu.memory_space<hbm>>
        tpu.enqueue_dma source(%dma_start3A_30 : memref<520x128xf32, #tpu.memory_space<hbm>>) target(%dma_start3A_27 : memref<520x128xf32, #tpu.memory_space<vmem_shared>>) target_semaphore(%run_scoped3A : memref<!tpu.dma_semaphore, #tpu.memory_space<semaphore_mem>>)
        %dma_wait3A = arith.constant 9480 : i32
        %dma_wait3A_31 = arith.constant 0 : i32
        %dma_wait3A_32 = tpu.memref_slice %arg12[%dma_wait3A, %dma_wait3A_31] : memref<10112x128xf32, #tpu.memory_space<vmem_shared>> -> memref<520x128xf32, #tpu.memory_space<vmem_shared>>
        %dma_wait3A_33 = arith.constant 9480 : i32
        %dma_wait3A_34 = arith.constant 0 : i32
        %dma_wait3A_35 = tpu.memref_slice %arg3[%dma_wait3A_33, %dma_wait3A_34] : memref<10000x128xf32, #tpu.memory_space<hbm>> -> memref<520x128xf32, #tpu.memory_space<hbm>>
        tpu.wait_dma2 semaphore(%run_scoped3A : memref<!tpu.dma_semaphore, #tpu.memory_space<semaphore_mem>>) src(%dma_wait3A_35 : memref<520x128xf32, #tpu.memory_space<hbm>>) dst(%dma_wait3A_32 : memref<520x128xf32, #tpu.memory_space<vmem_shared>>)
        tpu.yield
      }) : () -> ()
      "tpu.region"() ({
        %run_scoped3A = tpu.sem_alloc : memref<!tpu.dma_semaphore, #tpu.memory_space<semaphore_mem>>
        %dma_start3A = arith.constant 10000 : i32
        %dma_start3A_26 = arith.constant 0 : i32
        %dma_start3A_27 = tpu.memref_slice %arg12[%dma_start3A, %dma_start3A_26] : memref<10112x128xf32, #tpu.memory_space<vmem_shared>> -> memref<112x128xf32, #tpu.memory_space<vmem_shared>>
        %dma_start3A_28 = arith.constant 0 : i32
        %dma_start3A_29 = arith.constant 0 : i32
        %dma_start3A_30 = tpu.memref_slice %arg4[%dma_start3A_28, %dma_start3A_29] : memref<632x128xf32, #tpu.memory_space<hbm>> -> memref<112x128xf32, #tpu.memory_space<hbm>>
        tpu.enqueue_dma source(%dma_start3A_30 : memref<112x128xf32, #tpu.memory_space<hbm>>) target(%dma_start3A_27 : memref<112x128xf32, #tpu.memory_space<vmem_shared>>) target_semaphore(%run_scoped3A : memref<!tpu.dma_semaphore, #tpu.memory_space<semaphore_mem>>)
        %dma_wait3A = arith.constant 10000 : i32
        %dma_wait3A_31 = arith.constant 0 : i32
        %dma_wait3A_32 = tpu.memref_slice %arg12[%dma_wait3A, %dma_wait3A_31] : memref<10112x128xf32, #tpu.memory_space<vmem_shared>> -> memref<112x128xf32, #tpu.memory_space<vmem_shared>>
        %dma_wait3A_33 = arith.constant 0 : i32
        %dma_wait3A_34 = arith.constant 0 : i32
        %dma_wait3A_35 = tpu.memref_slice %arg4[%dma_wait3A_33, %dma_wait3A_34] : memref<632x128xf32, #tpu.memory_space<hbm>> -> memref<112x128xf32, #tpu.memory_space<hbm>>
        tpu.wait_dma2 semaphore(%run_scoped3A : memref<!tpu.dma_semaphore, #tpu.memory_space<semaphore_mem>>) src(%dma_wait3A_35 : memref<112x128xf32, #tpu.memory_space<hbm>>) dst(%dma_wait3A_32 : memref<112x128xf32, #tpu.memory_space<vmem_shared>>)
        tpu.yield
      }) : () -> ()
    } else {
    }
    %eq3A_14 = arith.constant 1 : i32
    %eq3A_15 = arith.cmpi eq, %arg0, %eq3A_14 : i32
    %convert_element_type3A_16 = arith.extui %eq3A_15 : i1 to i32
    %cond3A_17 = arith.constant 0 : i32
    %cond3A_18 = arith.cmpi ne, %convert_element_type3A_16, %cond3A_17 : i32
    scf.if %cond3A_18 {
      "tpu.region"() ({
        %run_scoped3A = tpu.sem_alloc : memref<!tpu.dma_semaphore, #tpu.memory_space<semaphore_mem>>
        %dma_start3A = arith.constant 0 : i32
        %dma_start3A_26 = tpu.memref_slice %arg12[%mul3A_2, %dma_start3A] : memref<10112x128xf32, #tpu.memory_space<vmem_shared>> -> memref<632x128xf32, #tpu.memory_space<vmem_shared>>
        tpu.enqueue_dma source(%arg4 : memref<632x128xf32, #tpu.memory_space<hbm>>) target(%dma_start3A_26 : memref<632x128xf32, #tpu.memory_space<vmem_shared>>) target_semaphore(%run_scoped3A : memref<!tpu.dma_semaphore, #tpu.memory_space<semaphore_mem>>)
        %dma_wait3A = arith.constant 0 : i32
        %dma_wait3A_27 = tpu.memref_slice %arg12[%mul3A_2, %dma_wait3A] : memref<10112x128xf32, #tpu.memory_space<vmem_shared>> -> memref<632x128xf32, #tpu.memory_space<vmem_shared>>
        tpu.wait_dma2 semaphore(%run_scoped3A : memref<!tpu.dma_semaphore, #tpu.memory_space<semaphore_mem>>) src(%arg4 : memref<632x128xf32, #tpu.memory_space<hbm>>) dst(%dma_wait3A_27 : memref<632x128xf32, #tpu.memory_space<vmem_shared>>)
        tpu.yield
      }) : () -> ()
    } else {
    }
    "tpu.region"() ({
      %run_scoped3A = tpu.sem_alloc : memref<!tpu.dma_semaphore, #tpu.memory_space<semaphore_mem>>
      %dma_start3A = arith.constant 0 : i32
      %dma_start3A_26 = arith.constant 0 : i32
      %dma_start3A_27 = tpu.memref_slice %arg5[%add3A, %dma_start3A, %dma_start3A_26] : memref<32x80x125xi32, #tpu.memory_space<hbm>> -> memref<1x80x125xi32, #tpu.memory_space<hbm>>
      %dma_start3A_28 = tpu.memref_squeeze %dma_start3A_27 : memref<1x80x125xi32, #tpu.memory_space<hbm>> -> memref<80x125xi32, #tpu.memory_space<hbm>>
      %dma_start3A_29 = arith.constant 0 : i32
      %dma_start3A_30 = arith.constant 0 : i32
      %dma_start3A_31 = tpu.memref_slice %arg5[%add3A, %dma_start3A_29, %dma_start3A_30] : memref<32x80x125xi32, #tpu.memory_space<hbm>> -> memref<1x80x125xi32, #tpu.memory_space<hbm>>
      %dma_start3A_32 = tpu.memref_squeeze %dma_start3A_31 : memref<1x80x125xi32, #tpu.memory_space<hbm>> -> memref<80x125xi32, #tpu.memory_space<hbm>>
      tpu.enqueue_dma source(%dma_start3A_32 : memref<80x125xi32, #tpu.memory_space<hbm>>) target(%arg9 : memref<80x125xi32, #tpu.memory_space<vmem>>) target_semaphore(%run_scoped3A : memref<!tpu.dma_semaphore, #tpu.memory_space<semaphore_mem>>)
      %dma_wait3A = arith.constant 0 : i32
      %dma_wait3A_33 = arith.constant 0 : i32
      %dma_wait3A_34 = tpu.memref_slice %arg5[%add3A, %dma_wait3A, %dma_wait3A_33] : memref<32x80x125xi32, #tpu.memory_space<hbm>> -> memref<1x80x125xi32, #tpu.memory_space<hbm>>
      %dma_wait3A_35 = tpu.memref_squeeze %dma_wait3A_34 : memref<1x80x125xi32, #tpu.memory_space<hbm>> -> memref<80x125xi32, #tpu.memory_space<hbm>>
      %dma_wait3A_36 = arith.constant 0 : i32
      %dma_wait3A_37 = arith.constant 0 : i32
      %dma_wait3A_38 = tpu.memref_slice %arg5[%add3A, %dma_wait3A_36, %dma_wait3A_37] : memref<32x80x125xi32, #tpu.memory_space<hbm>> -> memref<1x80x125xi32, #tpu.memory_space<hbm>>
      %dma_wait3A_39 = tpu.memref_squeeze %dma_wait3A_38 : memref<1x80x125xi32, #tpu.memory_space<hbm>> -> memref<80x125xi32, #tpu.memory_space<hbm>>
      tpu.wait_dma2 semaphore(%run_scoped3A : memref<!tpu.dma_semaphore, #tpu.memory_space<semaphore_mem>>) src(%dma_wait3A_39 : memref<80x125xi32, #tpu.memory_space<hbm>>) dst(%arg9 : memref<80x125xi32, #tpu.memory_space<vmem>>)
      tpu.yield
    }) : () -> ()
    "tpu.region"() ({
      %run_scoped3A = tpu.sem_alloc : memref<!tpu.dma_semaphore, #tpu.memory_space<semaphore_mem>>
      %dma_start3A = arith.constant 0 : i32
      %dma_start3A_26 = arith.constant 0 : i32
      %dma_start3A_27 = tpu.memref_slice %arg6[%add3A, %dma_start3A, %dma_start3A_26] : memref<32x80x125xi32, #tpu.memory_space<hbm>> -> memref<1x80x125xi32, #tpu.memory_space<hbm>>
      %dma_start3A_28 = tpu.memref_squeeze %dma_start3A_27 : memref<1x80x125xi32, #tpu.memory_space<hbm>> -> memref<80x125xi32, #tpu.memory_space<hbm>>
      %dma_start3A_29 = arith.constant 0 : i32
      %dma_start3A_30 = arith.constant 0 : i32
      %dma_start3A_31 = tpu.memref_slice %arg6[%add3A, %dma_start3A_29, %dma_start3A_30] : memref<32x80x125xi32, #tpu.memory_space<hbm>> -> memref<1x80x125xi32, #tpu.memory_space<hbm>>
      %dma_start3A_32 = tpu.memref_squeeze %dma_start3A_31 : memref<1x80x125xi32, #tpu.memory_space<hbm>> -> memref<80x125xi32, #tpu.memory_space<hbm>>
      tpu.enqueue_dma source(%dma_start3A_32 : memref<80x125xi32, #tpu.memory_space<hbm>>) target(%arg10 : memref<80x125xi32, #tpu.memory_space<vmem>>) target_semaphore(%run_scoped3A : memref<!tpu.dma_semaphore, #tpu.memory_space<semaphore_mem>>)
      %dma_wait3A = arith.constant 0 : i32
      %dma_wait3A_33 = arith.constant 0 : i32
      %dma_wait3A_34 = tpu.memref_slice %arg6[%add3A, %dma_wait3A, %dma_wait3A_33] : memref<32x80x125xi32, #tpu.memory_space<hbm>> -> memref<1x80x125xi32, #tpu.memory_space<hbm>>
      %dma_wait3A_35 = tpu.memref_squeeze %dma_wait3A_34 : memref<1x80x125xi32, #tpu.memory_space<hbm>> -> memref<80x125xi32, #tpu.memory_space<hbm>>
      %dma_wait3A_36 = arith.constant 0 : i32
      %dma_wait3A_37 = arith.constant 0 : i32
      %dma_wait3A_38 = tpu.memref_slice %arg6[%add3A, %dma_wait3A_36, %dma_wait3A_37] : memref<32x80x125xi32, #tpu.memory_space<hbm>> -> memref<1x80x125xi32, #tpu.memory_space<hbm>>
      %dma_wait3A_39 = tpu.memref_squeeze %dma_wait3A_38 : memref<1x80x125xi32, #tpu.memory_space<hbm>> -> memref<80x125xi32, #tpu.memory_space<hbm>>
      tpu.wait_dma2 semaphore(%run_scoped3A : memref<!tpu.dma_semaphore, #tpu.memory_space<semaphore_mem>>) src(%dma_wait3A_39 : memref<80x125xi32, #tpu.memory_space<hbm>>) dst(%arg10 : memref<80x125xi32, #tpu.memory_space<vmem>>)
      tpu.yield
    }) : () -> ()
    %barrier3A = arith.constant 0 : index
    tpu.barrier barrier_id(%barrier3A)
    %scan3A = arith.constant 0 : i32
    %scan3A_19 = arith.constant 0 : i32
    %scan3A_20 = arith.constant 80 : i32
    %scan3A_21 = arith.addi %scan3A_19, %scan3A_20 : i32
    %scan3A_22 = arith.constant 1 : i32
    %scan3A_23 = scf.for %scan3A_26 = %scan3A_19 to %scan3A_21 step %scan3A_22 iter_args(%scan3A_27 = %scan3A) -> (i32)  : i32 {
      %dma_start3A = arith.constant 0 : i32
      %dma_start3A_28 = tpu.memref_slice %arg9[%scan3A_26, %dma_start3A] : memref<80x125xi32, #tpu.memory_space<vmem>> -> memref<1x125xi32, #tpu.memory_space<vmem>>
      %dma_start3A_29 = tpu.memref_squeeze %dma_start3A_28 : memref<1x125xi32, #tpu.memory_space<vmem>> -> memref<125xi32, #tpu.memory_space<vmem>>
      %dma_start3A_30 = arith.constant 0 : i32
      %dma_start3A_31 = arith.constant 0 : i32
      %dma_start3A_32 = tpu.memref_slice %arg2[%dma_start3A_30, %dma_start3A_31] : memref<10000x128xf32, #tpu.memory_space<hbm>> -> memref<10000x128xf32, #tpu.memory_space<hbm>>
      tpu.enqueue_indirect_dma source(%dma_start3A_32 : memref<10000x128xf32, #tpu.memory_space<hbm>>) target(%arg8 : memref<125x128xf32, #tpu.memory_space<vmem>>) offsets(%dma_start3A_29 : memref<125xi32, #tpu.memory_space<vmem>>) semaphore(%arg11 : memref<!tpu.dma_semaphore, #tpu.memory_space<semaphore_mem>>)
      %dma_wait3A = arith.constant 0 : i32
      %dma_wait3A_33 = tpu.memref_slice %arg9[%scan3A_26, %dma_wait3A] : memref<80x125xi32, #tpu.memory_space<vmem>> -> memref<1x125xi32, #tpu.memory_space<vmem>>
      %dma_wait3A_34 = tpu.memref_squeeze %dma_wait3A_33 : memref<1x125xi32, #tpu.memory_space<vmem>> -> memref<125xi32, #tpu.memory_space<vmem>>
      %dma_wait3A_35 = arith.constant 0 : i32
      %dma_wait3A_36 = arith.constant 0 : i32
      %dma_wait3A_37 = tpu.memref_slice %arg2[%dma_wait3A_35, %dma_wait3A_36] : memref<10000x128xf32, #tpu.memory_space<hbm>> -> memref<10000x128xf32, #tpu.memory_space<hbm>>
      tpu.wait_indirect_dma semaphore(%arg11 : memref<!tpu.dma_semaphore, #tpu.memory_space<semaphore_mem>>) src(%dma_wait3A_37 : memref<10000x128xf32, #tpu.memory_space<hbm>>) dst(%arg8 : memref<125x128xf32, #tpu.memory_space<vmem>>)
      "tpu.region"() ({
        %run_scoped3A = tpu.sem_alloc : memref<!tpu.dma_semaphore, #tpu.memory_space<semaphore_mem>>
        %dma_start3A_39 = arith.constant 0 : i32
        %dma_start3A_40 = tpu.memref_slice %arg10[%scan3A_26, %dma_start3A_39] : memref<80x125xi32, #tpu.memory_space<vmem>> -> memref<1x125xi32, #tpu.memory_space<vmem>>
        %dma_start3A_41 = tpu.memref_squeeze %dma_start3A_40 : memref<1x125xi32, #tpu.memory_space<vmem>> -> memref<125xi32, #tpu.memory_space<vmem>>
        %dma_start3A_42 = arith.constant 0 : i32
        %dma_start3A_43 = arith.constant 0 : i32
        %dma_start3A_44 = tpu.memref_slice %arg12[%dma_start3A_42, %dma_start3A_43] : memref<10112x128xf32, #tpu.memory_space<vmem_shared>> -> memref<10112x128xf32, #tpu.memory_space<vmem_shared>>
        tpu.enqueue_indirect_dma source(%arg8 : memref<125x128xf32, #tpu.memory_space<vmem>>) target(%dma_start3A_44 : memref<10112x128xf32, #tpu.memory_space<vmem_shared>>) offsets(%dma_start3A_41 : memref<125xi32, #tpu.memory_space<vmem>>) semaphore(%run_scoped3A : memref<!tpu.dma_semaphore, #tpu.memory_space<semaphore_mem>>) {add = true}
        %dma_wait3A_45 = arith.constant 0 : i32
        %dma_wait3A_46 = tpu.memref_slice %arg10[%scan3A_26, %dma_wait3A_45] : memref<80x125xi32, #tpu.memory_space<vmem>> -> memref<1x125xi32, #tpu.memory_space<vmem>>
        %dma_wait3A_47 = tpu.memref_squeeze %dma_wait3A_46 : memref<1x125xi32, #tpu.memory_space<vmem>> -> memref<125xi32, #tpu.memory_space<vmem>>
        %dma_wait3A_48 = arith.constant 0 : i32
        %dma_wait3A_49 = arith.constant 0 : i32
        %dma_wait3A_50 = tpu.memref_slice %arg12[%dma_wait3A_48, %dma_wait3A_49] : memref<10112x128xf32, #tpu.memory_space<vmem_shared>> -> memref<10112x128xf32, #tpu.memory_space<vmem_shared>>
        tpu.wait_indirect_dma semaphore(%run_scoped3A : memref<!tpu.dma_semaphore, #tpu.memory_space<semaphore_mem>>) src(%arg8 : memref<125x128xf32, #tpu.memory_space<vmem>>) dst(%dma_wait3A_50 : memref<10112x128xf32, #tpu.memory_space<vmem_shared>>)
        tpu.yield
      }) : () -> ()
      %scan3A_38 = arith.constant 0 : i32
      scf.yield %scan3A_38 : i32
    }
    %scan3A_24 = arith.constant 80 : i32
    %barrier3A_25 = arith.constant 0 : index
    tpu.barrier barrier_id(%barrier3A_25)
    "tpu.region"() ({
      %run_scoped3A = tpu.sem_alloc : memref<!tpu.dma_semaphore, #tpu.memory_space<semaphore_mem>>
      %dma_start3A = arith.constant 0 : i32
      %dma_start3A_26 = arith.constant 0 : i32
      %dma_start3A_27 = tpu.memref_slice %arg7[%arg0, %dma_start3A, %dma_start3A_26] : memref<2x10112x128xf32, #tpu.memory_space<hbm>> -> memref<1x10112x128xf32, #tpu.memory_space<hbm>>
      %dma_start3A_28 = tpu.memref_squeeze %dma_start3A_27 : memref<1x10112x128xf32, #tpu.memory_space<hbm>> -> memref<10112x128xf32, #tpu.memory_space<hbm>>
      %dma_start3A_29 = arith.constant 0 : i32
      %dma_start3A_30 = tpu.memref_slice %dma_start3A_28[%mul3A_2, %dma_start3A_29] : memref<10112x128xf32, #tpu.memory_space<hbm>> -> memref<632x128xf32, #tpu.memory_space<hbm>>
      %dma_start3A_31 = arith.constant 0 : i32
      %dma_start3A_32 = tpu.memref_slice %arg12[%mul3A_2, %dma_start3A_31] : memref<10112x128xf32, #tpu.memory_space<vmem_shared>> -> memref<632x128xf32, #tpu.memory_space<vmem_shared>>
      tpu.enqueue_dma source(%dma_start3A_32 : memref<632x128xf32, #tpu.memory_space<vmem_shared>>) target(%dma_start3A_30 : memref<632x128xf32, #tpu.memory_space<hbm>>) target_semaphore(%run_scoped3A : memref<!tpu.dma_semaphore, #tpu.memory_space<semaphore_mem>>)
      %dma_wait3A = arith.constant 0 : i32
      %dma_wait3A_33 = arith.constant 0 : i32
      %dma_wait3A_34 = tpu.memref_slice %arg7[%arg0, %dma_wait3A, %dma_wait3A_33] : memref<2x10112x128xf32, #tpu.memory_space<hbm>> -> memref<1x10112x128xf32, #tpu.memory_space<hbm>>
      %dma_wait3A_35 = tpu.memref_squeeze %dma_wait3A_34 : memref<1x10112x128xf32, #tpu.memory_space<hbm>> -> memref<10112x128xf32, #tpu.memory_space<hbm>>
      %dma_wait3A_36 = arith.constant 0 : i32
      %dma_wait3A_37 = tpu.memref_slice %dma_wait3A_35[%mul3A_2, %dma_wait3A_36] : memref<10112x128xf32, #tpu.memory_space<hbm>> -> memref<632x128xf32, #tpu.memory_space<hbm>>
      %dma_wait3A_38 = arith.constant 0 : i32
      %dma_wait3A_39 = tpu.memref_slice %arg12[%mul3A_2, %dma_wait3A_38] : memref<10112x128xf32, #tpu.memory_space<vmem_shared>> -> memref<632x128xf32, #tpu.memory_space<vmem_shared>>
      tpu.wait_dma2 semaphore(%run_scoped3A : memref<!tpu.dma_semaphore, #tpu.memory_space<semaphore_mem>>) src(%dma_wait3A_39 : memref<632x128xf32, #tpu.memory_space<vmem_shared>>) dst(%dma_wait3A_37 : memref<632x128xf32, #tpu.memory_space<hbm>>)
      tpu.yield
    }) : () -> ()
    return
  }
}

</mosaic_0001>

<sc_bundles>
// kernel: _sc_agg.3.cloned.1.call-start
scs
__scs_entry_jumppad:
0x0: {  	(pc) =	sbr.rel $0x88, $3  }
0x1: {  	(tag) =	ssettag $0x0;
	lr =	simm.s32 $0x1  }
0x2: {  	[smem:$0x3F9C] =	sst lr;
	_ =	strace $0xD0000000  }
0x3: {  	_ = 	snop  }
0x4: {  	_ = 	snop  }
0x5: {  	_ = 	snop  }
0x6: {  	_ = 	snop  }
0x7: {  	_ = 	snop  }
__scs_overlays_trampoline_lowered:
0x8: {  	[smem:$0x3FAB] =	sst s0  }
0x9: {  	[smem:$0x3FAC] =	sst s1  }
0xa: {  	[smem:$0x3FAD] =	sst s2  }
0xb: {  	[smem:$0x3FAE] =	sst s3  }
0xc: {  	[smem:$0x3FAF] =	sst s4  }
0xd: {  	[smem:$0x3FB0] =	sst s5  }
0xe: {  	[smem:$0x3FB1] =	sst s6  }
0xf: {  	[smem:$0x3FB2] =	sst s7  }
0x10: {  	[smem:$0x3FB3] =	sst s8  }
0x11: {  	[smem:$0x3FB4] =	sst s9;
	s0 =	simm.s32 @!p0 $0x0  }
0x12: {  	s1 =	sld [smem:$0x3F9A];
	s0 =	simm.s32 @p0 $0x1  }
0x13: {  	[smem:$0x3FB5] =	sst s0;
	s0 =	simm.s32 @!p1 $0x0  }
0x14: {  	s2 =	sld [smem:$0x3F99];
	s0 =	simm.s32 @p1 $0x1  }
0x15: {  	[smem:$0x3FB6] =	sst s0;
	s0 =	simm.s32 @!p2 $0x0  }
0x16: {  	s3 =	sld [smem:$0x3FDB];
	s0 =	simm.s32 @p2 $0x1  }
0x17: {  	s4 =	simm.s32 $0x1BF5;
	[smem:$0x3FB8] =	sst s0  }
0x18: {  	s0 =	sld [smem:$0x3F9B];
	_ =	swait.ge [sflag:s4], $0x0  }
0x19: {  	s7 =	sld [smem:$0x3F9C]  }
0x1a: {  	s8 =	sadd.s32 $0xFFFFE003, lr  }
0x1b: {  	s9 =	sadd.s32 $0xFFFFFEF7, lr;
	s5 =	simm.s32 $0xFFFFFFFF;
	p2 =	slt.u32 s8, $0xFFFFF086  }
0x1c: {  	p1 =	slt.u32 s9, $0xF7A;
	s5 =	simm.s32 @!p2 $0x0  }
0x1d: {  	s5 =	simm.s32 @p1 $0x1;
	p0 =	seq.s32 s7, s2  }
0x1e: {  	s7 =	smul.u32 @!p0 $0xF7A, s2;
	p2 =	seq.s32 @!p0 s5, $0x0  }
0x1f: {  	s9 =	smul.u32 $0xF7A, s1;
	s8 =	simm.s32 @!p0 $0x1BF5;
	p2 =	por !p2, p0  }
0x20: {  	[sflag:s8] =	ssyncset.s32 @!p0 $0xFFFFF086;
	s6 =	sadd.s32 @!p0 s3, s7;
	s7 =	simm.s32 @!p0 $0x108  }
0x21: {  	s3 =	sadd.s32 s3, s9;
	s6 =	sadd.s32 @!p0 $0x88, s6;
	s7 =	simm.s32 @p2 $0x1082  }
0x22: {  	[simem:s7], [sflag:s8] =	dma.local @!p0 [hbm:s6], $0xF7A  }
0x23: {  	s9 =	sor.u32 $0xD0000000, s2;
	s6 =	simm.s32 $0x108;
	_ =	swait.ge @!p0 [sflag:s8], $0x0  }
0x24: {  	s3 =	sadd.s32 $0x88, s3;
	s6 =	simm.s32 @!p1 $0x1082;
	[sflag:s4] =	ssyncset.s32 $0xFFFFF086  }
0x25: {  	[simem:s6], [sflag:s4] =	dma.local [hbm:s3], $0xF7A  }
0x26: {  	[smem:$0x3F9C] =	sst s1;
	(tag) =	ssettag s2;
	_ =	strace s9  }
0x27: {  	s1 =	sld [smem:$0x3FAC]  }
0x28: {  	s2 =	sld [smem:$0x3FAD]  }
0x29: {  	s4 =	sld [smem:$0x3FAF]  }
0x2a: {  	p0 =	seq.s32 s5, $0x0;
	s5 =	sld [smem:$0x3FB0]  }
0x2b: {  	s6 =	sld [smem:$0x3FB1]  }
0x2c: {  	s7 =	sld [smem:$0x3FB2]  }
0x2d: {  	s3 =	simm.s32 $0x108;
	s8 =	sld [smem:$0x3FB3]  }
0x2e: {  	s3 =	simm.s32 @!p0 $0x1082;
	s9 =	sld [smem:$0x3FB4]  }
0x2f: {  	lr =	sadd.s32 s0, s3;
	s0 =	sld [smem:$0x3FAB]  }
0x30: {  	s3 =	sld [smem:$0x3FAE]  }
0x31: {  	[smem:$0x3FB7] =	sst s10  }
0x32: {  	s10 =	sld [smem:$0x3FB5];
	_ =	sdelay $0x3  }
0x33: {  	p0 =	seq.s32 s10, $0x1;
	s10 =	sld [smem:$0x3FB7];
	_ =	sdelay $0x3  }
0x34: {  	[smem:$0x3FB7] =	sst s10  }
0x35: {  	s10 =	sld [smem:$0x3FB6];
	_ =	sdelay $0x3  }
0x36: {  	p1 =	seq.s32 s10, $0x1;
	s10 =	sld [smem:$0x3FB7];
	_ =	sdelay $0x3  }
0x37: {  	[smem:$0x3FB7] =	sst s10  }
0x38: {  	s10 =	sld [smem:$0x3FB8]  }
0x39: {  	_ = 	snop;
	(pc) =	sbr.ind lr, $3  }
0x3a: {  	_ = 	snop  }
0x3b: {  	_ = 	snop  }
0x3c: {  	p2 =	seq.s32 s10, $0x1;
	s10 =	sld [smem:$0x3FB7]  }
0x3d: {  	_ =	shalt  }
0x3e: {  	_ =	shalt  }
0x3f: {  	_ =	shalt  }
0x40: {  	_ =	shalt  }
0x41: {  	_ =	shalt  }
0x42: {  	_ =	shalt  }
0x43: {  	_ =	shalt  }
0x44: {  	_ =	shalt  }
0x45: {  	_ =	shalt  }
0x46: {  	_ =	shalt  }
0x47: {  	_ =	shalt  }
0x48: {  	_ =	shalt  }
0x49: {  	_ =	shalt  }
0x4a: {  	_ =	shalt  }
0x4b: {  	_ =	shalt  }
0x4c: {  	_ =	shalt  }
0x4d: {  	_ =	shalt  }
0x4e: {  	_ =	shalt  }
0x4f: {  	_ =	shalt  }
0x50: {  	_ =	shalt  }
0x51: {  	_ =	shalt  }
0x52: {  	_ =	shalt  }
0x53: {  	_ =	shalt  }
0x54: {  	_ =	shalt  }
0x55: {  	_ =	shalt  }
0x56: {  	_ =	shalt  }
0x57: {  	_ =	shalt  }
0x58: {  	_ =	shalt  }
0x59: {  	_ =	shalt  }
0x5a: {  	_ =	shalt  }
0x5b: {  	_ =	shalt  }
0x5c: {  	_ =	shalt  }
0x5d: {  	_ =	shalt  }
0x5e: {  	_ =	shalt  }
0x5f: {  	_ =	shalt  }
0x60: {  	_ =	shalt  }
0x61: {  	_ =	shalt  }
0x62: {  	_ =	shalt  }
0x63: {  	_ =	shalt  }
0x64: {  	_ =	shalt  }
0x65: {  	_ =	shalt  }
0x66: {  	_ =	shalt  }
0x67: {  	_ =	shalt  }
0x68: {  	_ =	shalt  }
0x69: {  	_ =	shalt  }
0x6a: {  	_ =	shalt  }
0x6b: {  	_ =	shalt  }
0x6c: {  	_ =	shalt  }
0x6d: {  	_ =	shalt  }
0x6e: {  	_ =	shalt  }
0x6f: {  	_ =	shalt  }
0x70: {  	_ =	shalt  }
0x71: {  	_ =	shalt  }
0x72: {  	_ =	shalt  }
0x73: {  	_ =	shalt  }
0x74: {  	_ =	shalt  }
0x75: {  	_ =	shalt  }
0x76: {  	_ =	shalt  }
0x77: {  	_ =	shalt  }
0x78: {  	_ =	shalt  }
0x79: {  	_ =	shalt  }
0x7a: {  	_ =	shalt  }
0x7b: {  	_ =	shalt  }
0x7c: {  	_ =	shalt  }
0x7d: {  	_ =	shalt  }
0x7e: {  	_ =	shalt  }
0x7f: {  	_ =	shalt  }
0x80: {  	_ =	shalt  }
0x81: {  	_ =	shalt  }
0x82: {  	_ =	shalt  }
0x83: {  	_ =	shalt  }
0x84: {  	_ =	shalt  }
0x85: {  	_ =	shalt  }
0x86: {  	_ =	shalt  }
0x87: {  	_ =	shalt  }
.Lfunc_end0:
.L_simem_size_0:
called_computation_lowered:
.L_overlay_start_0:
0x88: {  	s2 =	sld [smem:$0x3FD9]  }
0x89: {  	s3 =	sld [smem:$0x3FFE];
	_ =	sdelay $0x1  }
0x8a: {  	s1 =	srdreg.scid  }
0x8b: {  	s0 =	sand.u32 $0x1, s1  }
0x8c: {  	s18 =	sshll.u32 s0, $0xA;
	s2 =	sadd.s32 s3, s2  }
0x8d: {  	s2 =	sadd.s32 s2, s18  }
0x8e: {  	[smem:$0x3FC3] =	sst s2  }
0x8f: {  	_ = 	snop  }
0x90: {  	s2 =	sld [smem:$0x3FC9]  }
0x91: {  	s19 =	sld [smem:$0x3FC8]  }
0x92: {  	s4 =	sld [smem:$0x3FC7]  }
0x93: {  	s5 =	sld [smem:$0x3FC6]  }
0x94: {  	s6 =	sld [smem:$0x3FC5]  }
0x95: {  	s7 =	sld [smem:$0x3FD0];
	(tm) =	ssettm $0x1  }
0x96: {  	s8 =	sld [smem:$0x3FFB];
	_ =	sdelay $0x3  }
0x97: {  	_ =	strace s8  }
0x98: {  	s8 =	sld [smem:$0x3FFC];
	_ =	sdelay $0x3  }
0x99: {  	_ =	strace s8  }
0x9a: {  	s8 =	sld [smem:$0x3FFD];
	_ =	sdelay $0x3  }
0x9b: {  	_ =	strace s8  }
0x9c: {  	_ =	strace $0x8FFFFFFF  }
0x9d: {  	s20 =	sld [smem:$0x3FDB];
	_ =	sdelay $0x1  }
0x9e: {  	s9 =	simm.s32 $_scs_section_size  }
0x9f: {  	s10 =	simm.s32 $_size__tile_overlayer_lowered;
	s11 =	simm.s32 $_tile_overlayer_lowered  }
0xa0: {  	s23 =	simm.s32 $0x1BFF;
	s22 =	sshll.u32 s11, $0x1;
	s8 =	sadd.s32 s9, s20  }
0xa1: {  	s12 =	simm.s32 $0x0;
	s21 =	sshll.u32 s10, $0x1;
	s10 =	sadd.s32 s22, s8  }
0xa2: {  	[timem:s12], [sflag:s23] =	dma.local [hbm:s10], s21  }
0xa3: {  	_ =	swait.ge [sflag:s23], s21  }
0xa4: {  	s9 =	ssub.s32 $0x0, s21;
	[sflag:s23] =	ssyncset.done $0x0  }
0xa5: {  	[sflag:s23] =	ssyncadd.s32 s9;
	_ =	sdelay $0x1  }
0xa6: {  	s24 =	simm.s32 $0x1B8B  }
0xa7: {  	_ =	swait.ge [sflag:s24], $0x1  }
0xa8: {  	[sflag:s24] =	ssyncset.done $0x0  }
0xa9: {  	s25 =	simm.s32 $0x1B8E;
	[sflag:s24] =	ssyncadd.s32 $0xFFFFFFFF  }
0xaa: {  	s26 =	simm.s32 $execute0_lowered;
	[smem:$0x3FD2] =	sst s25  }
0xab: {  	s9 =	sshll.u32 s26, $0x1;
	_ =	strace $0x80000046;
	[dreg:$0x1] =	wrdreg $0xFFFFFFFF  }
0xac: {  	s28 =	simm.s32 $_size_execute0_lowered;
	s8 =	sadd.s32 s8, s9;
	[dreg:$0x0] =	wrdreg $0x0  }
0xad: {  	s9 =	sshll.u32 s28, $0x1;
	[dreg:$0x2] =	wrdreg s8  }
0xae: {  	[dreg:$0x3] =	wrdreg s9  }
0xaf: {  	[dreg:$0x4] =	wrdreg $0xC0  }
0xb0: {  	_ =	task [dreg:s12], $0x5FFFF  }
0xb1: {  	[dreg:$0x1] =	wrdreg $0xFFFFFFFF  }
0xb2: {  	[dreg:$0x0] =	wrdreg $0x60  }
0xb3: {  	[dreg:$0x2] =	wrdreg s2  }
0xb4: {  	[dreg:$0x3] =	wrdreg s19  }
0xb5: {  	[dreg:$0x4] =	wrdreg s4  }
0xb6: {  	[dreg:$0x5] =	wrdreg s5  }
0xb7: {  	[dreg:$0x6] =	wrdreg s6  }
0xb8: {  	[dreg:$0x7] =	wrdreg s7  }
0xb9: {  	[dreg:$0x8] =	wrdreg $0x90000  }
0xba: {  	[dreg:$0x9] =	wrdreg $0x9  }
0xbb: {  	_ =	task.clear_ibuf [dreg:s12], $0xAFFFF;
	_ =	strace $0x90000046  }
0xbc: {  	s29 =	simm.s32 $0x9;
	_ =	strace $0x80000048  }
0xbd: {  	_ =	swait.ge [sflag:s29], $0x1  }
0xbe: {  	[sflag:s29] =	ssyncadd.s32 $0xFFFFFFFF  }
0xbf: {  	_ =	strace $0x90000048  }
0xc0: {  	_ =	sfence  }
0xc1: {  	s30 =	sld [smem:$0x0];
	_ =	sdelay $0x2  }
0xc2: {  	s31 =	sshll.u32 s1, $0xD;
	s1 =	sshrl.u32 s1, $0x2  }
0xc3: {  	s3 =	sand.u32 $0x4000, s31;
	s1 =	sadd.s32 s1, s30  }
0xc4: {  	s0 =	sor.u32 s3, s0;
	s1 =	sshll.u32 s1, $0x11  }
0xc5: {  	s0 =	sor.u32 s1, s0  }
0xc6: {  	s0 =	sadd.s32 $0x8F2B, s0  }
0xc7: {  	[sflag:s0] =	ssyncadd.remote.s32 $0x1  }
0xc8: {  	_ =	sfence.sel $0xFFFF  }
0xc9: {  	[dreg:$0x0] =	wrdreg $0xFFFFFFFF;
	(pc) =	sbr.abs _section_cstart, $3  }
0xca: {  	[dreg:$0x1] =	wrdreg $0xFFFFFFFF  }
0xcb: {  	_ =	task.clear_ibuf [dreg:s12], $0x2FFFF;
	_ =	strace $0x9FFFFFFF  }
0xcc: {  	(tm) =	ssettm $0x7FFFFFFF  }
0xcd: {  	_ =	shalt  }
tec
execute0_lowered:
.L_overlay_start_1:
0x0: {  	(tag) =	ssettag $0x1  }
0x1: {  	s0 =	rddreg [dreg:$0x0]  }
0x2: {  	s7 =	rddreg [dreg:$0x1]  }
0x3: {  	s1 =	rddreg [dreg:$0x2]  }
0x4: {  	s8 =	rddreg [dreg:$0x3]  }
0x5: {  	s9 =	rddreg [dreg:$0x4]  }
0x6: {  	s10 =	rddreg [dreg:$0x5]  }
0x7: {  	s2 =	srdreg.scid;
	s3 =	rddreg [dreg:$0x6];
	s5 =	simm.s32 $0x0  }
0x8: {  	s4 =	stileid.u32;
	s17 =	simm.s32 $0x4000;
	s18 =	simm.s32 $0x2  }
0x9: {  	s19 =	simm.s32 $0x6800;
	s20 =	simm.s32 $0x7D;
	s21 =	simm.s32 $0x1  }
0xa: {  	s25 =	simm.s32 $0x0;
	s11 =	sand.u32 $0x1, s2;
	s2 =	rddreg [dreg:$0x7]  }
0xb: {  	[smem:$0x7FF] =	sst s5;
	s29 =	sshll.u32 s4, $0x1;
	s13 =	smul.u32 $0x4F000, s4  }
0xc: {  	p0 =	sne.s32 s4, $0xF;
	p2 =	seq.s32 s4, $0xF;
	s22 =	smul.u32 $0x2780, s4  }
0xd: {  	s15 =	sadd.s32 $0x138800, s3;
	s31 =	sshll.u32 s4, $0x6;
	s6 =	ssub.s32 $0x2, s11  }
0xe: {  	_ =	strace $0x80000047;
	p1 =	seq.s32 s11, $0x0;
	s14 =	sor.u32 s11, s29  }
0xf: {  	s12 =	sshrl.u32 s6, $0x1;
	p0 =	por !p1, !p0;
	p1 =	por !p1, !p2  }
0x10: {  	s30 =	sshrl.u32 s13, $0x2;
	s13 =	sadd.s32 $0x128400, s3;
	s14 =	smul.u32 $0x500, s14  }
0x11: {  	s12 =	ssub.s32 s6, s12;
	p0 =	por !p0, !p0;
	p2 =	por !p1, !p1  }
0x12: {  	s24 =	sadd.s32 s30, s3;
	s6 =	sadd.s32 $0x25080, s7;
	p1 =	por p2, p0  }
0x13: {  	s7 =	sadd.s32 s7, s22;
	s8 =	sadd.s32 s8, s14;
	p1 =	seq.s32 @!p1 s11, $0x0  }
0x14: {  	s9 =	sadd.s32 s9, s14;
	s11 =	smul.u32 $0x27800, s11;
	p1 =	por @!p0 p1, p2  }
0x15: {  	s16 =	sshrl.u32 @p0 s24, $0x3;
	p2 =	por !p2, p0;
	p1 =	por p1, p0  }
0x16: {  	s23 =	sadd.s32 s10, s11;
	s10 =	smax.u32 s12, $0x1;
	s13 =	sshrl.u32 @!p2 s13, $0x3  }
0x17: {  	s14 =	sshrl.u32 @!p2 s15, $0x3;
	s15 =	sshll.u32 @p0 s4, $0x6;
	s11 =	sshll.u32 @!p1 s4, $0x6  }
0x18: {  	s12 =	sshrl.u32 @!p1 s24, $0x3;
	s15 =	sor.u32 @p0 $0x1C02, s15;
	s22 =	sadd.s32 s22, s23  }
0x19: {  	s23 =	sor.u32 $0x1C02, s31;
	s24 =	sshrl.u32 s24, $0x3;
	s11 =	sor.u32 @!p1 $0x1C02, s11  }
.LBB2_1:
0x1a: {  	[spmem:s12], [sflag:s11] =	dma.local @!p1 [hbm:s1], $0x2780  }
0x1b: {  	s26 =	simm.s32 @!p1 $0x2  }
0x1c: {  	_ =	swait.ge @!p1 [sflag:s26], $0x2780  }
0x1d: {  	[sflag:s26] =	ssyncset.done @!p1 $0x0  }
0x1e: {  	s28 =	simm.s32 @!p2 $0x2;
	[sflag:s26] =	ssyncadd.s32 @!p1 $0xFFFFD880;
	s26 =	simm.s32 @!p2 $0x1FC2  }
0x1f: {  	[spmem:s13], [sflag:s26] =	dma.local @!p2 [hbm:s6], $0x2080  }
0x20: {  	_ =	swait.ge @!p2 [sflag:s28], $0x2080  }
0x21: {  	[sflag:s28] =	ssyncset.done @!p2 $0x0  }
0x22: {  	[sflag:s28] =	ssyncadd.s32 @!p2 $0xFFFFDF80  }
0x23: {  	[spmem:s14], [sflag:s26] =	dma.local @!p2 [hbm:s1], $0x700  }
0x24: {  	_ =	swait.ge @!p2 [sflag:s28], $0x700  }
0x25: {  	[sflag:s28] =	ssyncset.done @!p2 $0x0  }
0x26: {  	s26 =	simm.s32 @p0 $0x2;
	[sflag:s28] =	ssyncadd.s32 @!p2 $0xFFFFF900  }
0x27: {  	[spmem:s16], [sflag:s15] =	dma.local @p0 [hbm:s7], $0x2780  }
0x28: {  	_ =	swait.ge @p0 [sflag:s26], $0x2780  }
0x29: {  	[sflag:s26] =	ssyncset.done @p0 $0x0  }
0x2a: {  	[sflag:s26] =	ssyncadd.s32 @p0 $0xFFFFD880  }
0x2b: {  	[tilespmem:s17], [sflag:$0x2] =	stream.linear.gather [hbm4b:s8+s5], $0x2800, $0x38;
	[tilespmem:$0x1CC00] =	vst v63  }
0x2c: {  	_ =	swait.ge [sflag:s18], $0x2800  }
0x2d: {  	[sflag:s18] =	ssyncset.done $0x0  }
0x2e: {  	[sflag:s18] =	ssyncadd.s32 $0xFFFFD800  }
0x2f: {  	[tilespmem:s19], [sflag:$0x2] =	stream.linear.gather [hbm4b:s9+s5], $0x2800, $0x38;
	[tilespmem:$0x1CC00] =	vst v63  }
0x30: {  	_ =	swait.ge [sflag:s18], $0x2800  }
0x31: {  	[sflag:s18] =	ssyncset.done $0x0  }
0x32: {  	[sflag:s18] =	ssyncadd.s32 $0xFFFFD800  }
0x33: {  	s30 =	simm.s32 $0x4000;
	[bflag:$0x0] =	sbarrier.arrive $0xFFFF  }
0x34: {  	[tilespmem:s5], [sflag:$0x1] =	stream.indirect.gather [hbm4b:s0+s20], $0x80, s30, s20, $0xb8;
	[tilespmem:$0x1CC00] =	vst v63  }
0x35: {  	_ =	swait.ge [sflag:s21], $0x3E80  }
0x36: {  	[sflag:s21] =	ssyncset.done $0x0  }
0x37: {  	s31 =	simm.s32 $0x6800;
	[sflag:s21] =	ssyncadd.s32 $0xFFFFC180  }
0x38: {  	[spmem:s3] =	stream.indirect.scatter.add.f32 [tilespmem:s5], [sflag:$0x2], $0x80, s31, s20, $0xb8;
	[tilespmem:$0x1CC00] =	vst v63  }
0x39: {  	_ =	swait.ge [sflag:s18], $0x3E80  }
0x3a: {  	s28 =	simm.s32 $0x400;
	s26 =	simm.s32 $0x80;
	[sflag:s18] =	ssyncset.done $0x0  }
.LBB2_2:
0x3b: {  	s29 =	sadd.s32 $0x4000, s26  }
0x3c: {  	[sflag:s18] =	ssyncadd.s32 $0xFFFFC180;
	s30 =	smov.u32 s28;
	s31 =	sadd.s32 $0x200, s28  }
0x3d: {  	[tilespmem:s5], [sflag:$0x1] =	stream.indirect.gather [hbm4b:s0+s20], $0x80, s29, s20, $0xb8;
	[tilespmem:$0x1CC00] =	vst v63  }
0x3e: {  	p3 =	sne.s32 s28, $0x9E00;
	_ =	swait.ge [sflag:s21], $0x3E80  }
.Ltmp0:
0x3f: {  	[sflag:s21] =	ssyncset.done $0x0;
	(pc) =	sbr.rel @p3 .LBB2_2-.Ltmp0, $4  }
0x40: {  	s26 =	sadd.s32 $0x6800, s26;
	[sflag:s21] =	ssyncadd.s32 $0xFFFFC180  }
0x41: {  	[spmem:s3] =	stream.indirect.scatter.add.f32 [tilespmem:s5], [sflag:$0x2], $0x80, s26, s20, $0xb8;
	[tilespmem:$0x1CC00] =	vst v63  }
0x42: {  	_ =	swait.ge [sflag:s18], $0x3E80  }
0x43: {  	s28 =	smov.u32 s31;
	s26 =	sshra.s32 s30, $0x2;
	[sflag:s18] =	ssyncset.done $0x0  }
0x44: {  	s28 =	sadd.s32 $0x4000, s26;
	[sflag:s18] =	ssyncadd.s32 $0xFFFFC180  }
0x45: {  	[tilespmem:s5], [sflag:$0x1] =	stream.indirect.gather [hbm4b:s0+s20], $0x80, s28, s20, $0xb8;
	[tilespmem:$0x1CC00] =	vst v63  }
0x46: {  	_ =	swait.ge [sflag:s21], $0x3E80  }
0x47: {  	[sflag:s21] =	ssyncset.done $0x0  }
0x48: {  	s31 =	sadd.s32 $0x6800, s26;
	[sflag:s21] =	ssyncadd.s32 $0xFFFFC180  }
0x49: {  	[spmem:s3] =	stream.indirect.scatter.add.f32 [tilespmem:s5], [sflag:$0x2], $0x80, s31, s20, $0xb8;
	[tilespmem:$0x1CC00] =	vst v63  }
0x4a: {  	_ =	swait.ge [sflag:s18], $0x3E80  }
0x4b: {  	s25 =	sadd.s32 $0x1, s25;
	[sflag:s18] =	ssyncset.done $0x0  }
0x4c: {  	p3 =	sne.s32 s25, s10;
	[sflag:s18] =	ssyncadd.s32 $0xFFFFC180  }
.Ltmp1:
0x4d: {  	[bflag:$0x0] =	sbarrier.arrive $0xFFFF;
	(pc) =	sbr.rel @p3 .LBB2_1-.Ltmp1, $4  }
0x4e: {  	[hbm:s22], [sflag:s23] =	dma.local [spmem:s24], $0x2780  }
0x4f: {  	_ =	swait.ge [sflag:s18], $0x2780  }
0x50: {  	[sflag:s18] =	ssyncset.done $0x0  }
0x51: {  	[sflag:s18] =	ssyncadd.s32 $0xFFFFD880  }
0x52: {  	_ =	sfence.sel $0x180000  }
0x53: {  	[bflag:$0x0] =	sbarrier.arrive $0xFFFF  }
0x54: {  	p0 =	sne.s32 s4, $0x0;
	_ =	strace $0x90000047  }
0x55: {  	s0 =	sadd.s32 @!p0 $0x100000, s2;
	[bflag:$0x2] =	sbarrier.arrive $0xFFFF  }
0x56: {  	[sflag:s0] =	ssyncadd.tile.s32 @!p0 $0x1;
	_ =	shalt  }
.Lfunc_end2:
_tile_overlayer_lowered:
.L_overlay_start_2:
0x57: {  	(tag) =	ssettag $0x2  }
0x58: {  	s0 =	rddreg [dreg:$0x0];
	s2 =	stileid.u32  }
0x59: {  	s1 =	rddreg [dreg:$0x1];
	p0 =	sne.s32 s2, $0x0  }
0x5a: {  	s3 =	rddreg [dreg:$0x2];
	[bflag:$0x3] =	sbarrier.arrive $0xFFFF;
	s2 =	simm.s32 @!p0 $0x1C02  }
0x5b: {  	[timem:s3], [sflag:s2] =	dma.local @!p0 [hbm:s0], s1  }
0x5c: {  	s0 =	simm.s32 @!p0 $0x2  }
0x5d: {  	_ =	swait.ge @!p0 [sflag:s0], s1  }
0x5e: {  	s1 =	ssub.s32 @!p0 $0x0, s1;
	[sflag:s0] =	ssyncset.done @!p0 $0x0  }
0x5f: {  	[sflag:s0] =	ssyncadd.s32 @!p0 s1  }
0x60: {  	[bflag:$0x3] =	sbarrier.arrive $0xFFFF  }
0x61: {  	_ =	shalt  }

</sc_bundles>
